<compile_context>
chip_gen: v7x
topology: tpu7x:2x2x1
jax: 0.10.2.dev20260603
libtpu: 0.0.44.dev20260713+nightly
codegen_flags: <defaults>
</compile_context>

<pallas_src>
import functools

import jax
import jax.numpy as jnp
from jax import lax
from jax.experimental import pallas as pl
from jax.experimental.pallas import tpu as pltpu
from jax.experimental.pallas import tpu_sc as plsc

_NUM_EMB = 1000002
_D = 64
_B = 16384
_NW = 32
_BW = _B // _NW
_LOOK = 3


def _rsqrt_scalar(x):
    i = lax.bitcast_convert_type(x, jnp.int32)
    i = jnp.int32(0x5F3759DF) - lax.shift_right_logical(i, 1)
    y = lax.bitcast_convert_type(i, jnp.float32)
    for _ in range(3):
        y = y * (jnp.float32(1.5) - jnp.float32(0.5) * x * y * y)
    return y


def _sc_body(table_t, nodes_hbm, out_hbm, nv, ring, panel, gsem):
    wid = lax.axis_index("s") * 2 + lax.axis_index("c")
    base = wid * _BW

    pltpu.sync_copy(nodes_hbm.at[pl.ds(base, _BW)], nv.at[pl.ds(0, _BW)])

    def node_at(i):
        return nv[pl.ds(i, 16)][0]

    def fire(i, slot):
        c = lax.shift_right_logical(node_at(i), 7)
        off = pl.multiple_of(c * 128, 128)
        pltpu.make_async_copy(
            table_t.at[:, pl.ds(off, 128)], ring.at[slot], gsem
        ).start()

    def process(i, slot):
        n = node_at(i)
        pltpu.make_async_copy(
            table_t.at[:, pl.ds(0, 128)], ring.at[0], gsem
        ).wait()
        lane = jnp.broadcast_to(n & 127, (16,))
        acc = jnp.zeros((16,), jnp.float32)
        vals = []
        for k in range(_D // 16):
            row = lax.iota(jnp.int32, 16) + k * 16
            v = plsc.load_gather(ring.at[slot], [row, lane])
            vals.append(v)
            acc = acc + v * v
        r = _rsqrt_scalar(jnp.sum(acc))
        for k in range(_D // 16):
            panel[i, pl.ds(k * 16, 16)] = vals[k] * r

    for i in range(_LOOK):
        fire(i, i)

    def main_body(i, _):
        fire(i + _LOOK, (i + _LOOK) & _LOOK)
        process(i, i & _LOOK)
        return 0

    lax.fori_loop(0, _BW - _LOOK, main_body, 0)

    def tail_body(i, _):
        process(i, i & _LOOK)
        return 0

    lax.fori_loop(_BW - _LOOK, _BW, tail_body, 0)

    pltpu.sync_copy(panel, out_hbm.at[pl.ds(base, _BW), :])


@jax.jit
def _sc_call(table_t, nodes):
    mesh = plsc.VectorSubcoreMesh(core_axis_name="c", subcore_axis_name="s")
    return pl.kernel(
        _sc_body,
        out_type=jax.ShapeDtypeStruct((_B, 128), jnp.float32),
        mesh=mesh,
        compiler_params=pltpu.CompilerParams(
            needs_layout_passes=False, use_tc_tiling_on_sc=True
        ),
        scratch_types=[
            pltpu.VMEM((_BW + 16,), jnp.int32),
            pltpu.VMEM((_LOOK + 1, _D, 128), jnp.float32),
            pltpu.VMEM((_BW, 128), jnp.float32),
            pltpu.SemaphoreType.DMA,
        ],
    )(table_t, nodes)


def kernel(nodes, table):
    return _sc_call(table.T, nodes)[:, :_D].T

# --- scband reference (transcript-rebuilt; emitter-appended) ---
"""Pipeline reference for scband-direct-encoder-56599079026837 (READ-ONLY COPY).

The authoritative reference and input builder live on the scoring server;
editing this copy changes nothing except your own understanding.
"""

import jax, jax.numpy as jnp
import numpy as np

NUM_EMB = 1000002  # num_ent_by_type + 2, per module docstring
EMBED_DIM = 64
BATCH = 16384


def setup_inputs(seed: int = 0) -> dict:
    key = jax.random.key(seed)
    k1, k2 = jax.random.split(key)
    nodes = jax.random.randint(k1, (BATCH,), 0, 1000000, dtype=jnp.int64 if jax.config.jax_enable_x64 else jnp.int32).astype(jnp.int32)
    table = jax.random.normal(k2, (NUM_EMB, EMBED_DIM), dtype=jnp.float32)
    return {"nodes": nodes, "table": table}


def reference(nodes, table):
    # features(nodes, mode) -> EmbeddingBag-style direct lookup: [num_node, embed_dim]
    embeds = jnp.take(table, nodes, axis=0)
    # .t() -> [embed_dim, num_node]
    embeds = embeds.T
    # L2 norm over dim 0 (embedding dim), keepdim, then divide
    norm = jnp.linalg.norm(embeds, ord=2, axis=0, keepdims=True)
    return embeds / norm

if __name__ == "__main__":
    import jax
    _d = setup_inputs()
    print(jax.jit(kernel)(*tuple(_d.values())))

</pallas_src>

<mosaic_0001>
#map = affine_map<(d0, d1) -> (0, 0)>
#map1 = affine_map<(d0, d1) -> (0)>
module attributes {stable_mosaic.version = 14 : i64} {
  func.func @_sc_body(%arg0: i32, %arg1: i32, %arg2: memref<64x1000002xf32, #tpu.memory_space<hbm>>, %arg3: memref<16384xi32, #tpu.memory_space<hbm>>, %arg4: memref<16384x128xf32, #tpu.memory_space<hbm>>, %arg5: memref<528xi32, #tpu.memory_space<vmem>>, %arg6: memref<4x64x128xf32, #tpu.memory_space<vmem>>, %arg7: memref<512x128xf32, #tpu.memory_space<vmem>>, %arg8: memref<!tpu.dma_semaphore, #tpu.memory_space<semaphore_mem>>) attributes {dimension_semantics = [#tpu.dimension_semantics<core_parallel>, #tpu.dimension_semantics<subcore_parallel>], iteration_bounds = array<i64: 2, 16>, scalar_prefetch = 0 : i64, scratch_operands = 4 : i64, tpu.core_type = #tpu.core_type<sc_vector_subcore>, window_params = [{transform_indices = #map}, {transform_indices = #map1}, {transform_indices = #map}]} {
    %mul3A = arith.constant 2 : i32
    %mul3A_0 = arith.muli %arg1, %mul3A : i32
    %add3A = arith.addi %mul3A_0, %arg0 : i32
    %mul3A_1 = arith.constant 512 : i32
    %mul3A_2 = arith.muli %add3A, %mul3A_1 : i32
    "tpu.region"() ({
      %run_scoped3A = tpu.sem_alloc : memref<!tpu.dma_semaphore, #tpu.memory_space<semaphore_mem>>
      %dma_start3A_76 = arith.constant 0 : i32
      %dma_start3A_77 = tpu.memref_slice %arg5[%dma_start3A_76] : memref<528xi32, #tpu.memory_space<vmem>> -> memref<512xi32, #tpu.memory_space<vmem>>
      %dma_start3A_78 = tpu.memref_slice %arg3[%mul3A_2] : memref<16384xi32, #tpu.memory_space<hbm>> -> memref<512xi32, #tpu.memory_space<hbm>>
      %dma_start3A_79 = arith.constant 0 : i32
      %dma_start3A_80 = tpu.memref_slice %arg5[%dma_start3A_79] : memref<528xi32, #tpu.memory_space<vmem>> -> memref<512xi32, #tpu.memory_space<vmem>>
      %dma_start3A_81 = tpu.memref_slice %arg3[%mul3A_2] : memref<16384xi32, #tpu.memory_space<hbm>> -> memref<512xi32, #tpu.memory_space<hbm>>
      tpu.enqueue_dma source(%dma_start3A_81 : memref<512xi32, #tpu.memory_space<hbm>>) target(%dma_start3A_80 : memref<512xi32, #tpu.memory_space<vmem>>) target_semaphore(%run_scoped3A : memref<!tpu.dma_semaphore, #tpu.memory_space<semaphore_mem>>)
      %dma_wait3A = arith.constant 0 : i32
      %dma_wait3A_82 = tpu.memref_slice %arg5[%dma_wait3A] : memref<528xi32, #tpu.memory_space<vmem>> -> memref<512xi32, #tpu.memory_space<vmem>>
      %dma_wait3A_83 = tpu.memref_slice %arg3[%mul3A_2] : memref<16384xi32, #tpu.memory_space<hbm>> -> memref<512xi32, #tpu.memory_space<hbm>>
      %dma_wait3A_84 = arith.constant 0 : i32
      %dma_wait3A_85 = tpu.memref_slice %arg5[%dma_wait3A_84] : memref<528xi32, #tpu.memory_space<vmem>> -> memref<512xi32, #tpu.memory_space<vmem>>
      %dma_wait3A_86 = tpu.memref_slice %arg3[%mul3A_2] : memref<16384xi32, #tpu.memory_space<hbm>> -> memref<512xi32, #tpu.memory_space<hbm>>
      tpu.wait_dma2 semaphore(%run_scoped3A : memref<!tpu.dma_semaphore, #tpu.memory_space<semaphore_mem>>) src(%dma_wait3A_86 : memref<512xi32, #tpu.memory_space<hbm>>) dst(%dma_wait3A_85 : memref<512xi32, #tpu.memory_space<vmem>>)
      tpu.yield
    }) : () -> ()
    %get3A = arith.constant 0 : index
    %get3A_3 = tpu.vector_load %arg5[%get3A] {strides = array<i32>} : memref<528xi32, #tpu.memory_space<vmem>>, vector<16xi32>,
    %slice3A = vector.extract_strided_slice %get3A_3 {offsets = [0], sizes = [1], strides = [1]} : vector<16xi32> to vector<1xi32>
    %squeeze3A = vector.extract %slice3A[0] : i32 from vector<1xi32>
    %shift_right_logical3A = arith.constant 7 : i32
    %shift_right_logical3A_4 = arith.shrui %squeeze3A, %shift_right_logical3A : i32
    %mul3A_5 = arith.constant 128 : i32
    %mul3A_6 = arith.muli %shift_right_logical3A_4, %mul3A_5 : i32
    %multiple_of3A = tpu.assume_multiple %mul3A_6, 128 : i32
    %dma_start3A = arith.constant 0 : i32
    %dma_start3A_7 = arith.constant 0 : i32
    %dma_start3A_8 = arith.constant 0 : i32
    %dma_start3A_9 = tpu.memref_slice %arg6[%dma_start3A, %dma_start3A_7, %dma_start3A_8] : memref<4x64x128xf32, #tpu.memory_space<vmem>> -> memref<1x64x128xf32, #tpu.memory_space<vmem>>
    %dma_start3A_10 = tpu.memref_squeeze %dma_start3A_9 : memref<1x64x128xf32, #tpu.memory_space<vmem>> -> memref<64x128xf32, #tpu.memory_space<vmem>>
    %dma_start3A_11 = arith.constant 0 : i32
    %dma_start3A_12 = tpu.memref_slice %arg2[%dma_start3A_11, %multiple_of3A] : memref<64x1000002xf32, #tpu.memory_space<hbm>> -> memref<64x128xf32, #tpu.memory_space<hbm>>
    %dma_start3A_13 = arith.constant 0 : i32
    %dma_start3A_14 = arith.constant 0 : i32
    %dma_start3A_15 = tpu.memref_slice %arg6[%dma_start3A, %dma_start3A_13, %dma_start3A_14] : memref<4x64x128xf32, #tpu.memory_space<vmem>> -> memref<1x64x128xf32, #tpu.memory_space<vmem>>
    %dma_start3A_16 = tpu.memref_squeeze %dma_start3A_15 : memref<1x64x128xf32, #tpu.memory_space<vmem>> -> memref<64x128xf32, #tpu.memory_space<vmem>>
    %dma_start3A_17 = arith.constant 0 : i32
    %dma_start3A_18 = tpu.memref_slice %arg2[%dma_start3A_17, %multiple_of3A] : memref<64x1000002xf32, #tpu.memory_space<hbm>> -> memref<64x128xf32, #tpu.memory_space<hbm>>
    tpu.enqueue_dma source(%dma_start3A_18 : memref<64x128xf32, #tpu.memory_space<hbm>>) target(%dma_start3A_16 : memref<64x128xf32, #tpu.memory_space<vmem>>) target_semaphore(%arg8 : memref<!tpu.dma_semaphore, #tpu.memory_space<semaphore_mem>>)
    %get3A_19 = arith.constant 1 : index
    %get3A_20 = tpu.vector_load %arg5[%get3A_19] {strides = array<i32>} : memref<528xi32, #tpu.memory_space<vmem>>, vector<16xi32>,
    %slice3A_21 = vector.extract_strided_slice %get3A_20 {offsets = [0], sizes = [1], strides = [1]} : vector<16xi32> to vector<1xi32>
    %squeeze3A_22 = vector.extract %slice3A_21[0] : i32 from vector<1xi32>
    %shift_right_logical3A_23 = arith.constant 7 : i32
    %shift_right_logical3A_24 = arith.shrui %squeeze3A_22, %shift_right_logical3A_23 : i32
    %mul3A_25 = arith.constant 128 : i32
    %mul3A_26 = arith.muli %shift_right_logical3A_24, %mul3A_25 : i32
    %multiple_of3A_27 = tpu.assume_multiple %mul3A_26, 128 : i32
    %dma_start3A_28 = arith.constant 1 : i32
    %dma_start3A_29 = arith.constant 0 : i32
    %dma_start3A_30 = arith.constant 0 : i32
    %dma_start3A_31 = tpu.memref_slice %arg6[%dma_start3A_28, %dma_start3A_29, %dma_start3A_30] : memref<4x64x128xf32, #tpu.memory_space<vmem>> -> memref<1x64x128xf32, #tpu.memory_space<vmem>>
    %dma_start3A_32 = tpu.memref_squeeze %dma_start3A_31 : memref<1x64x128xf32, #tpu.memory_space<vmem>> -> memref<64x128xf32, #tpu.memory_space<vmem>>
    %dma_start3A_33 = arith.constant 0 : i32
    %dma_start3A_34 = tpu.memref_slice %arg2[%dma_start3A_33, %multiple_of3A_27] : memref<64x1000002xf32, #tpu.memory_space<hbm>> -> memref<64x128xf32, #tpu.memory_space<hbm>>
    %dma_start3A_35 = arith.constant 0 : i32
    %dma_start3A_36 = arith.constant 0 : i32
    %dma_start3A_37 = tpu.memref_slice %arg6[%dma_start3A_28, %dma_start3A_35, %dma_start3A_36] : memref<4x64x128xf32, #tpu.memory_space<vmem>> -> memref<1x64x128xf32, #tpu.memory_space<vmem>>
    %dma_start3A_38 = tpu.memref_squeeze %dma_start3A_37 : memref<1x64x128xf32, #tpu.memory_space<vmem>> -> memref<64x128xf32, #tpu.memory_space<vmem>>
    %dma_start3A_39 = arith.constant 0 : i32
    %dma_start3A_40 = tpu.memref_slice %arg2[%dma_start3A_39, %multiple_of3A_27] : memref<64x1000002xf32, #tpu.memory_space<hbm>> -> memref<64x128xf32, #tpu.memory_space<hbm>>
    tpu.enqueue_dma source(%dma_start3A_40 : memref<64x128xf32, #tpu.memory_space<hbm>>) target(%dma_start3A_38 : memref<64x128xf32, #tpu.memory_space<vmem>>) target_semaphore(%arg8 : memref<!tpu.dma_semaphore, #tpu.memory_space<semaphore_mem>>)
    %get3A_41 = arith.constant 2 : index
    %get3A_42 = tpu.vector_load %arg5[%get3A_41] {strides = array<i32>} : memref<528xi32, #tpu.memory_space<vmem>>, vector<16xi32>,
    %slice3A_43 = vector.extract_strided_slice %get3A_42 {offsets = [0], sizes = [1], strides = [1]} : vector<16xi32> to vector<1xi32>
    %squeeze3A_44 = vector.extract %slice3A_43[0] : i32 from vector<1xi32>
    %shift_right_logical3A_45 = arith.constant 7 : i32
    %shift_right_logical3A_46 = arith.shrui %squeeze3A_44, %shift_right_logical3A_45 : i32
    %mul3A_47 = arith.constant 128 : i32
    %mul3A_48 = arith.muli %shift_right_logical3A_46, %mul3A_47 : i32
    %multiple_of3A_49 = tpu.assume_multiple %mul3A_48, 128 : i32
    %dma_start3A_50 = arith.constant 2 : i32
    %dma_start3A_51 = arith.constant 0 : i32
    %dma_start3A_52 = arith.constant 0 : i32
    %dma_start3A_53 = tpu.memref_slice %arg6[%dma_start3A_50, %dma_start3A_51, %dma_start3A_52] : memref<4x64x128xf32, #tpu.memory_space<vmem>> -> memref<1x64x128xf32, #tpu.memory_space<vmem>>
    %dma_start3A_54 = tpu.memref_squeeze %dma_start3A_53 : memref<1x64x128xf32, #tpu.memory_space<vmem>> -> memref<64x128xf32, #tpu.memory_space<vmem>>
    %dma_start3A_55 = arith.constant 0 : i32
    %dma_start3A_56 = tpu.memref_slice %arg2[%dma_start3A_55, %multiple_of3A_49] : memref<64x1000002xf32, #tpu.memory_space<hbm>> -> memref<64x128xf32, #tpu.memory_space<hbm>>
    %dma_start3A_57 = arith.constant 0 : i32
    %dma_start3A_58 = arith.constant 0 : i32
    %dma_start3A_59 = tpu.memref_slice %arg6[%dma_start3A_50, %dma_start3A_57, %dma_start3A_58] : memref<4x64x128xf32, #tpu.memory_space<vmem>> -> memref<1x64x128xf32, #tpu.memory_space<vmem>>
    %dma_start3A_60 = tpu.memref_squeeze %dma_start3A_59 : memref<1x64x128xf32, #tpu.memory_space<vmem>> -> memref<64x128xf32, #tpu.memory_space<vmem>>
    %dma_start3A_61 = arith.constant 0 : i32
    %dma_start3A_62 = tpu.memref_slice %arg2[%dma_start3A_61, %multiple_of3A_49] : memref<64x1000002xf32, #tpu.memory_space<hbm>> -> memref<64x128xf32, #tpu.memory_space<hbm>>
    tpu.enqueue_dma source(%dma_start3A_62 : memref<64x128xf32, #tpu.memory_space<hbm>>) target(%dma_start3A_60 : memref<64x128xf32, #tpu.memory_space<vmem>>) target_semaphore(%arg8 : memref<!tpu.dma_semaphore, #tpu.memory_space<semaphore_mem>>)
    %scan3A = arith.constant 0 : i32
    %scan3A_63 = arith.constant 0 : i32
    %scan3A_64 = arith.constant 509 : i32
    %scan3A_65 = arith.addi %scan3A_63, %scan3A_64 : i32
    %scan3A_66 = arith.constant 1 : i32
    %scan3A_67 = scf.for %scan3A_76 = %scan3A_63 to %scan3A_65 step %scan3A_66 iter_args(%scan3A_77 = %scan3A) -> (i32)  : i32 {
      %add3A_78 = arith.constant 3 : i32
      %add3A_79 = arith.addi %scan3A_76, %add3A_78 : i32
      %add3A_80 = arith.constant 3 : i32
      %add3A_81 = arith.addi %scan3A_76, %add3A_80 : i32
      %and3A = arith.constant 3 : i32
      %and3A_82 = arith.andi %add3A_81, %and3A : i32
      %get3A_83 = arith.index_cast %add3A_79 : i32 to index
      %get3A_84 = tpu.vector_load %arg5[%get3A_83] {strides = array<i32>} : memref<528xi32, #tpu.memory_space<vmem>>, vector<16xi32>,
      %slice3A_85 = vector.extract_strided_slice %get3A_84 {offsets = [0], sizes = [1], strides = [1]} : vector<16xi32> to vector<1xi32>
      %squeeze3A_86 = vector.extract %slice3A_85[0] : i32 from vector<1xi32>
      %shift_right_logical3A_87 = arith.constant 7 : i32
      %shift_right_logical3A_88 = arith.shrui %squeeze3A_86, %shift_right_logical3A_87 : i32
      %mul3A_89 = arith.constant 128 : i32
      %mul3A_90 = arith.muli %shift_right_logical3A_88, %mul3A_89 : i32
      %multiple_of3A_91 = tpu.assume_multiple %mul3A_90, 128 : i32
      %dma_start3A_92 = arith.constant 0 : i32
      %dma_start3A_93 = arith.constant 0 : i32
      %dma_start3A_94 = tpu.memref_slice %arg6[%and3A_82, %dma_start3A_92, %dma_start3A_93] : memref<4x64x128xf32, #tpu.memory_space<vmem>> -> memref<1x64x128xf32, #tpu.memory_space<vmem>>
      %dma_start3A_95 = tpu.memref_squeeze %dma_start3A_94 : memref<1x64x128xf32, #tpu.memory_space<vmem>> -> memref<64x128xf32, #tpu.memory_space<vmem>>
      %dma_start3A_96 = arith.constant 0 : i32
      %dma_start3A_97 = tpu.memref_slice %arg2[%dma_start3A_96, %multiple_of3A_91] : memref<64x1000002xf32, #tpu.memory_space<hbm>> -> memref<64x128xf32, #tpu.memory_space<hbm>>
      %dma_start3A_98 = arith.constant 0 : i32
      %dma_start3A_99 = arith.constant 0 : i32
      %dma_start3A_100 = tpu.memref_slice %arg6[%and3A_82, %dma_start3A_98, %dma_start3A_99] : memref<4x64x128xf32, #tpu.memory_space<vmem>> -> memref<1x64x128xf32, #tpu.memory_space<vmem>>
      %dma_start3A_101 = tpu.memref_squeeze %dma_start3A_100 : memref<1x64x128xf32, #tpu.memory_space<vmem>> -> memref<64x128xf32, #tpu.memory_space<vmem>>
      %dma_start3A_102 = arith.constant 0 : i32
      %dma_start3A_103 = tpu.memref_slice %arg2[%dma_start3A_102, %multiple_of3A_91] : memref<64x1000002xf32, #tpu.memory_space<hbm>> -> memref<64x128xf32, #tpu.memory_space<hbm>>
      tpu.enqueue_dma source(%dma_start3A_103 : memref<64x128xf32, #tpu.memory_space<hbm>>) target(%dma_start3A_101 : memref<64x128xf32, #tpu.memory_space<vmem>>) target_semaphore(%arg8 : memref<!tpu.dma_semaphore, #tpu.memory_space<semaphore_mem>>)
      %and3A_104 = arith.constant 3 : i32
      %and3A_105 = arith.andi %scan3A_76, %and3A_104 : i32
      %get3A_106 = arith.index_cast %scan3A_76 : i32 to index
      %get3A_107 = tpu.vector_load %arg5[%get3A_106] {strides = array<i32>} : memref<528xi32, #tpu.memory_space<vmem>>, vector<16xi32>,
      %slice3A_108 = vector.extract_strided_slice %get3A_107 {offsets = [0], sizes = [1], strides = [1]} : vector<16xi32> to vector<1xi32>
      %squeeze3A_109 = vector.extract %slice3A_108[0] : i32 from vector<1xi32>
      %dma_wait3A = arith.constant 0 : i32
      %dma_wait3A_110 = arith.constant 0 : i32
      %dma_wait3A_111 = arith.constant 0 : i32
      %dma_wait3A_112 = tpu.memref_slice %arg6[%dma_wait3A, %dma_wait3A_110, %dma_wait3A_111] : memref<4x64x128xf32, #tpu.memory_space<vmem>> -> memref<1x64x128xf32, #tpu.memory_space<vmem>>
      %dma_wait3A_113 = tpu.memref_squeeze %dma_wait3A_112 : memref<1x64x128xf32, #tpu.memory_space<vmem>> -> memref<64x128xf32, #tpu.memory_space<vmem>>
      %dma_wait3A_114 = arith.constant 0 : i32
      %dma_wait3A_115 = arith.constant 0 : i32
      %dma_wait3A_116 = tpu.memref_slice %arg2[%dma_wait3A_114, %dma_wait3A_115] : memref<64x1000002xf32, #tpu.memory_space<hbm>> -> memref<64x128xf32, #tpu.memory_space<hbm>>
      %dma_wait3A_117 = arith.constant 0 : i32
      %dma_wait3A_118 = arith.constant 0 : i32
      %dma_wait3A_119 = tpu.memref_slice %arg6[%dma_wait3A, %dma_wait3A_117, %dma_wait3A_118] : memref<4x64x128xf32, #tpu.memory_space<vmem>> -> memref<1x64x128xf32, #tpu.memory_space<vmem>>
      %dma_wait3A_120 = tpu.memref_squeeze %dma_wait3A_119 : memref<1x64x128xf32, #tpu.memory_space<vmem>> -> memref<64x128xf32, #tpu.memory_space<vmem>>
      %dma_wait3A_121 = arith.constant 0 : i32
      %dma_wait3A_122 = arith.constant 0 : i32
      %dma_wait3A_123 = tpu.memref_slice %arg2[%dma_wait3A_121, %dma_wait3A_122] : memref<64x1000002xf32, #tpu.memory_space<hbm>> -> memref<64x128xf32, #tpu.memory_space<hbm>>
      tpu.wait_dma2 semaphore(%arg8 : memref<!tpu.dma_semaphore, #tpu.memory_space<semaphore_mem>>) src(%dma_wait3A_123 : memref<64x128xf32, #tpu.memory_space<hbm>>) dst(%dma_wait3A_120 : memref<64x128xf32, #tpu.memory_space<vmem>>)
      %and3A_124 = arith.constant 127 : i32
      %and3A_125 = arith.andi %squeeze3A_109, %and3A_124 : i32
      %broadcast_in_dim3A = vector.broadcast %and3A_125 : i32 to vector<16xi32>
      %broadcast_in_dim3A_126 = arith.constant 0.000000e+00 : f32
      %broadcast_in_dim3A_127 = vector.broadcast %broadcast_in_dim3A_126 : f32 to vector<16xf32>
      %iota3A = tpu.iota {dimensions = array<i32: 0>} : vector<16xi32>
      %add3A_128 = arith.constant 0 : i32
      %add3A_129 = vector.broadcast %add3A_128 : i32 to vector<16xi32>
      %add3A_130 = arith.addi %iota3A, %add3A_129 : vector<16xi32>
      %gather3A = arith.constant 0 : i32
      %gather3A_131 = arith.constant 0 : i32
      %gather3A_132 = tpu.memref_slice %arg6[%and3A_105, %gather3A, %gather3A_131] : memref<4x64x128xf32, #tpu.memory_space<vmem>> -> memref<1x64x128xf32, #tpu.memory_space<vmem>>
      %gather3A_133 = tpu.memref_squeeze %gather3A_132 : memref<1x64x128xf32, #tpu.memory_space<vmem>> -> memref<64x128xf32, #tpu.memory_space<vmem>>
      %gather3A_134 = tpu.vector_load_idx %gather3A_133[%add3A_130, %broadcast_in_dim3A] : memref<64x128xf32, #tpu.memory_space<vmem>>[vector<16xi32>, vector<16xi32>], vector<16xf32>,
      %mul3A_135 = arith.mulf %gather3A_134, %gather3A_134 : vector<16xf32>
      %add3A_136 = arith.addf %broadcast_in_dim3A_127, %mul3A_135 : vector<16xf32>
      %iota3A_137 = tpu.iota {dimensions = array<i32: 0>} : vector<16xi32>
      %add3A_138 = arith.constant 16 : i32
      %add3A_139 = vector.broadcast %add3A_138 : i32 to vector<16xi32>
      %add3A_140 = arith.addi %iota3A_137, %add3A_139 : vector<16xi32>
      %gather3A_141 = arith.constant 0 : i32
      %gather3A_142 = arith.constant 0 : i32
      %gather3A_143 = tpu.memref_slice %arg6[%and3A_105, %gather3A_141, %gather3A_142] : memref<4x64x128xf32, #tpu.memory_space<vmem>> -> memref<1x64x128xf32, #tpu.memory_space<vmem>>
      %gather3A_144 = tpu.memref_squeeze %gather3A_143 : memref<1x64x128xf32, #tpu.memory_space<vmem>> -> memref<64x128xf32, #tpu.memory_space<vmem>>
      %gather3A_145 = tpu.vector_load_idx %gather3A_144[%add3A_140, %broadcast_in_dim3A] : memref<64x128xf32, #tpu.memory_space<vmem>>[vector<16xi32>, vector<16xi32>], vector<16xf32>,
      %mul3A_146 = arith.mulf %gather3A_145, %gather3A_145 : vector<16xf32>
      %add3A_147 = arith.addf %add3A_136, %mul3A_146 : vector<16xf32>
      %iota3A_148 = tpu.iota {dimensions = array<i32: 0>} : vector<16xi32>
      %add3A_149 = arith.constant 32 : i32
      %add3A_150 = vector.broadcast %add3A_149 : i32 to vector<16xi32>
      %add3A_151 = arith.addi %iota3A_148, %add3A_150 : vector<16xi32>
      %gather3A_152 = arith.constant 0 : i32
      %gather3A_153 = arith.constant 0 : i32
      %gather3A_154 = tpu.memref_slice %arg6[%and3A_105, %gather3A_152, %gather3A_153] : memref<4x64x128xf32, #tpu.memory_space<vmem>> -> memref<1x64x128xf32, #tpu.memory_space<vmem>>
      %gather3A_155 = tpu.memref_squeeze %gather3A_154 : memref<1x64x128xf32, #tpu.memory_space<vmem>> -> memref<64x128xf32, #tpu.memory_space<vmem>>
      %gather3A_156 = tpu.vector_load_idx %gather3A_155[%add3A_151, %broadcast_in_dim3A] : memref<64x128xf32, #tpu.memory_space<vmem>>[vector<16xi32>, vector<16xi32>], vector<16xf32>,
      %mul3A_157 = arith.mulf %gather3A_156, %gather3A_156 : vector<16xf32>
      %add3A_158 = arith.addf %add3A_147, %mul3A_157 : vector<16xf32>
      %iota3A_159 = tpu.iota {dimensions = array<i32: 0>} : vector<16xi32>
      %add3A_160 = arith.constant 48 : i32
      %add3A_161 = vector.broadcast %add3A_160 : i32 to vector<16xi32>
      %add3A_162 = arith.addi %iota3A_159, %add3A_161 : vector<16xi32>
      %gather3A_163 = arith.constant 0 : i32
      %gather3A_164 = arith.constant 0 : i32
      %gather3A_165 = tpu.memref_slice %arg6[%and3A_105, %gather3A_163, %gather3A_164] : memref<4x64x128xf32, #tpu.memory_space<vmem>> -> memref<1x64x128xf32, #tpu.memory_space<vmem>>
      %gather3A_166 = tpu.memref_squeeze %gather3A_165 : memref<1x64x128xf32, #tpu.memory_space<vmem>> -> memref<64x128xf32, #tpu.memory_space<vmem>>
      %gather3A_167 = tpu.vector_load_idx %gather3A_166[%add3A_162, %broadcast_in_dim3A] : memref<64x128xf32, #tpu.memory_space<vmem>>[vector<16xi32>, vector<16xi32>], vector<16xf32>,
      %mul3A_168 = arith.mulf %gather3A_167, %gather3A_167 : vector<16xf32>
      %add3A_169 = arith.addf %add3A_158, %mul3A_168 : vector<16xf32>
      %reduce_sum3A = arith.constant true
      %reduce_sum3A_170 = vector.broadcast %reduce_sum3A : i1 to vector<16xi1>
      %reduce_sum3A_171 = tpu.scan <sum>, %add3A_169 masked %reduce_sum3A_170 : vector<16xf32>, vector<16xi1> -> vector<16xf32>
      %reduce_sum3A_172 = vector.extract %reduce_sum3A_171[15] : f32 from vector<16xf32>
      %bitcast_convert_type3A = arith.bitcast %reduce_sum3A_172 : f32 to i32
      %shift_right_logical3A_173 = arith.constant 1 : i32
      %shift_right_logical3A_174 = arith.shrui %bitcast_convert_type3A, %shift_right_logical3A_173 : i32
      %sub3A = arith.constant 1597463007 : i32
      %sub3A_175 = arith.subi %sub3A, %shift_right_logical3A_174 : i32
      %bitcast_convert_type3A_176 = arith.bitcast %sub3A_175 : i32 to f32
      %mul3A_177 = arith.constant 5.000000e-01 : f32
      %mul3A_178 = arith.mulf %mul3A_177, %reduce_sum3A_172 : f32
      %mul3A_179 = arith.mulf %mul3A_178, %bitcast_convert_type3A_176 : f32
      %mul3A_180 = arith.mulf %mul3A_179, %bitcast_convert_type3A_176 : f32
      %sub3A_181 = arith.constant 1.500000e+00 : f32
      %sub3A_182 = arith.subf %sub3A_181, %mul3A_180 : f32
      %mul3A_183 = arith.mulf %bitcast_convert_type3A_176, %sub3A_182 : f32
      %mul3A_184 = arith.constant 5.000000e-01 : f32
      %mul3A_185 = arith.mulf %mul3A_184, %reduce_sum3A_172 : f32
      %mul3A_186 = arith.mulf %mul3A_185, %mul3A_183 : f32
      %mul3A_187 = arith.mulf %mul3A_186, %mul3A_183 : f32
      %sub3A_188 = arith.constant 1.500000e+00 : f32
      %sub3A_189 = arith.subf %sub3A_188, %mul3A_187 : f32
      %mul3A_190 = arith.mulf %mul3A_183, %sub3A_189 : f32
      %mul3A_191 = arith.constant 5.000000e-01 : f32
      %mul3A_192 = arith.mulf %mul3A_191, %reduce_sum3A_172 : f32
      %mul3A_193 = arith.mulf %mul3A_192, %mul3A_190 : f32
      %mul3A_194 = arith.mulf %mul3A_193, %mul3A_190 : f32
      %sub3A_195 = arith.constant 1.500000e+00 : f32
      %sub3A_196 = arith.subf %sub3A_195, %mul3A_194 : f32
      %mul3A_197 = arith.mulf %mul3A_190, %sub3A_196 : f32
      %mul3A_198 = vector.broadcast %mul3A_197 : f32 to vector<16xf32>
      %mul3A_199 = arith.mulf %gather3A_134, %mul3A_198 : vector<16xf32>
      %swap3A = arith.index_cast %scan3A_76 : i32 to index
      %swap3A_200 = arith.constant 0 : index
      %swap3A_201 = tpu.vector_load %arg7[%swap3A, %swap3A_200] {strides = array<i32>} : memref<512x128xf32, #tpu.memory_space<vmem>>, vector<16xf32>,
      tpu.vector_store %arg7[%swap3A, %swap3A_200], %mul3A_199 {strides = array<i32>} : memref<512x128xf32, #tpu.memory_space<vmem>>, vector<16xf32>,
      %mul3A_202 = vector.broadcast %mul3A_197 : f32 to vector<16xf32>
      %mul3A_203 = arith.mulf %gather3A_145, %mul3A_202 : vector<16xf32>
      %swap3A_204 = arith.index_cast %scan3A_76 : i32 to index
      %swap3A_205 = arith.constant 16 : index
      %swap3A_206 = tpu.vector_load %arg7[%swap3A_204, %swap3A_205] {strides = array<i32>} : memref<512x128xf32, #tpu.memory_space<vmem>>, vector<16xf32>,
      tpu.vector_store %arg7[%swap3A_204, %swap3A_205], %mul3A_203 {strides = array<i32>} : memref<512x128xf32, #tpu.memory_space<vmem>>, vector<16xf32>,
      %mul3A_207 = vector.broadcast %mul3A_197 : f32 to vector<16xf32>
      %mul3A_208 = arith.mulf %gather3A_156, %mul3A_207 : vector<16xf32>
      %swap3A_209 = arith.index_cast %scan3A_76 : i32 to index
      %swap3A_210 = arith.constant 32 : index
      %swap3A_211 = tpu.vector_load %arg7[%swap3A_209, %swap3A_210] {strides = array<i32>} : memref<512x128xf32, #tpu.memory_space<vmem>>, vector<16xf32>,
      tpu.vector_store %arg7[%swap3A_209, %swap3A_210], %mul3A_208 {strides = array<i32>} : memref<512x128xf32, #tpu.memory_space<vmem>>, vector<16xf32>,
      %mul3A_212 = vector.broadcast %mul3A_197 : f32 to vector<16xf32>
      %mul3A_213 = arith.mulf %gather3A_167, %mul3A_212 : vector<16xf32>
      %swap3A_214 = arith.index_cast %scan3A_76 : i32 to index
      %swap3A_215 = arith.constant 48 : index
      %swap3A_216 = tpu.vector_load %arg7[%swap3A_214, %swap3A_215] {strides = array<i32>} : memref<512x128xf32, #tpu.memory_space<vmem>>, vector<16xf32>,
      tpu.vector_store %arg7[%swap3A_214, %swap3A_215], %mul3A_213 {strides = array<i32>} : memref<512x128xf32, #tpu.memory_space<vmem>>, vector<16xf32>,
      %scan3A_217 = arith.constant 0 : i32
      scf.yield %scan3A_217 : i32
    }
    %scan3A_68 = arith.constant 509 : i32
    %scan3A_69 = arith.constant 0 : i32
    %scan3A_70 = arith.constant 509 : i32
    %scan3A_71 = arith.constant 3 : i32
    %scan3A_72 = arith.addi %scan3A_70, %scan3A_71 : i32
    %scan3A_73 = arith.constant 1 : i32
    %scan3A_74 = scf.for %scan3A_76 = %scan3A_70 to %scan3A_72 step %scan3A_73 iter_args(%scan3A_77 = %scan3A_69) -> (i32)  : i32 {
      %and3A = arith.constant 3 : i32
      %and3A_78 = arith.andi %scan3A_76, %and3A : i32
      %get3A_79 = arith.index_cast %scan3A_76 : i32 to index
      %get3A_80 = tpu.vector_load %arg5[%get3A_79] {strides = array<i32>} : memref<528xi32, #tpu.memory_space<vmem>>, vector<16xi32>,
      %slice3A_81 = vector.extract_strided_slice %get3A_80 {offsets = [0], sizes = [1], strides = [1]} : vector<16xi32> to vector<1xi32>
      %squeeze3A_82 = vector.extract %slice3A_81[0] : i32 from vector<1xi32>
      %dma_wait3A = arith.constant 0 : i32
      %dma_wait3A_83 = arith.constant 0 : i32
      %dma_wait3A_84 = arith.constant 0 : i32
      %dma_wait3A_85 = tpu.memref_slice %arg6[%dma_wait3A, %dma_wait3A_83, %dma_wait3A_84] : memref<4x64x128xf32, #tpu.memory_space<vmem>> -> memref<1x64x128xf32, #tpu.memory_space<vmem>>
      %dma_wait3A_86 = tpu.memref_squeeze %dma_wait3A_85 : memref<1x64x128xf32, #tpu.memory_space<vmem>> -> memref<64x128xf32, #tpu.memory_space<vmem>>
      %dma_wait3A_87 = arith.constant 0 : i32
      %dma_wait3A_88 = arith.constant 0 : i32
      %dma_wait3A_89 = tpu.memref_slice %arg2[%dma_wait3A_87, %dma_wait3A_88] : memref<64x1000002xf32, #tpu.memory_space<hbm>> -> memref<64x128xf32, #tpu.memory_space<hbm>>
      %dma_wait3A_90 = arith.constant 0 : i32
      %dma_wait3A_91 = arith.constant 0 : i32
      %dma_wait3A_92 = tpu.memref_slice %arg6[%dma_wait3A, %dma_wait3A_90, %dma_wait3A_91] : memref<4x64x128xf32, #tpu.memory_space<vmem>> -> memref<1x64x128xf32, #tpu.memory_space<vmem>>
      %dma_wait3A_93 = tpu.memref_squeeze %dma_wait3A_92 : memref<1x64x128xf32, #tpu.memory_space<vmem>> -> memref<64x128xf32, #tpu.memory_space<vmem>>
      %dma_wait3A_94 = arith.constant 0 : i32
      %dma_wait3A_95 = arith.constant 0 : i32
      %dma_wait3A_96 = tpu.memref_slice %arg2[%dma_wait3A_94, %dma_wait3A_95] : memref<64x1000002xf32, #tpu.memory_space<hbm>> -> memref<64x128xf32, #tpu.memory_space<hbm>>
      tpu.wait_dma2 semaphore(%arg8 : memref<!tpu.dma_semaphore, #tpu.memory_space<semaphore_mem>>) src(%dma_wait3A_96 : memref<64x128xf32, #tpu.memory_space<hbm>>) dst(%dma_wait3A_93 : memref<64x128xf32, #tpu.memory_space<vmem>>)
      %and3A_97 = arith.constant 127 : i32
      %and3A_98 = arith.andi %squeeze3A_82, %and3A_97 : i32
      %broadcast_in_dim3A = vector.broadcast %and3A_98 : i32 to vector<16xi32>
      %broadcast_in_dim3A_99 = arith.constant 0.000000e+00 : f32
      %broadcast_in_dim3A_100 = vector.broadcast %broadcast_in_dim3A_99 : f32 to vector<16xf32>
      %iota3A = tpu.iota {dimensions = array<i32: 0>} : vector<16xi32>
      %add3A_101 = arith.constant 0 : i32
      %add3A_102 = vector.broadcast %add3A_101 : i32 to vector<16xi32>
      %add3A_103 = arith.addi %iota3A, %add3A_102 : vector<16xi32>
      %gather3A = arith.constant 0 : i32
      %gather3A_104 = arith.constant 0 : i32
      %gather3A_105 = tpu.memref_slice %arg6[%and3A_78, %gather3A, %gather3A_104] : memref<4x64x128xf32, #tpu.memory_space<vmem>> -> memref<1x64x128xf32, #tpu.memory_space<vmem>>
      %gather3A_106 = tpu.memref_squeeze %gather3A_105 : memref<1x64x128xf32, #tpu.memory_space<vmem>> -> memref<64x128xf32, #tpu.memory_space<vmem>>
      %gather3A_107 = tpu.vector_load_idx %gather3A_106[%add3A_103, %broadcast_in_dim3A] : memref<64x128xf32, #tpu.memory_space<vmem>>[vector<16xi32>, vector<16xi32>], vector<16xf32>,
      %mul3A_108 = arith.mulf %gather3A_107, %gather3A_107 : vector<16xf32>
      %add3A_109 = arith.addf %broadcast_in_dim3A_100, %mul3A_108 : vector<16xf32>
      %iota3A_110 = tpu.iota {dimensions = array<i32: 0>} : vector<16xi32>
      %add3A_111 = arith.constant 16 : i32
      %add3A_112 = vector.broadcast %add3A_111 : i32 to vector<16xi32>
      %add3A_113 = arith.addi %iota3A_110, %add3A_112 : vector<16xi32>
      %gather3A_114 = arith.constant 0 : i32
      %gather3A_115 = arith.constant 0 : i32
      %gather3A_116 = tpu.memref_slice %arg6[%and3A_78, %gather3A_114, %gather3A_115] : memref<4x64x128xf32, #tpu.memory_space<vmem>> -> memref<1x64x128xf32, #tpu.memory_space<vmem>>
      %gather3A_117 = tpu.memref_squeeze %gather3A_116 : memref<1x64x128xf32, #tpu.memory_space<vmem>> -> memref<64x128xf32, #tpu.memory_space<vmem>>
      %gather3A_118 = tpu.vector_load_idx %gather3A_117[%add3A_113, %broadcast_in_dim3A] : memref<64x128xf32, #tpu.memory_space<vmem>>[vector<16xi32>, vector<16xi32>], vector<16xf32>,
      %mul3A_119 = arith.mulf %gather3A_118, %gather3A_118 : vector<16xf32>
      %add3A_120 = arith.addf %add3A_109, %mul3A_119 : vector<16xf32>
      %iota3A_121 = tpu.iota {dimensions = array<i32: 0>} : vector<16xi32>
      %add3A_122 = arith.constant 32 : i32
      %add3A_123 = vector.broadcast %add3A_122 : i32 to vector<16xi32>
      %add3A_124 = arith.addi %iota3A_121, %add3A_123 : vector<16xi32>
      %gather3A_125 = arith.constant 0 : i32
      %gather3A_126 = arith.constant 0 : i32
      %gather3A_127 = tpu.memref_slice %arg6[%and3A_78, %gather3A_125, %gather3A_126] : memref<4x64x128xf32, #tpu.memory_space<vmem>> -> memref<1x64x128xf32, #tpu.memory_space<vmem>>
      %gather3A_128 = tpu.memref_squeeze %gather3A_127 : memref<1x64x128xf32, #tpu.memory_space<vmem>> -> memref<64x128xf32, #tpu.memory_space<vmem>>
      %gather3A_129 = tpu.vector_load_idx %gather3A_128[%add3A_124, %broadcast_in_dim3A] : memref<64x128xf32, #tpu.memory_space<vmem>>[vector<16xi32>, vector<16xi32>], vector<16xf32>,
      %mul3A_130 = arith.mulf %gather3A_129, %gather3A_129 : vector<16xf32>
      %add3A_131 = arith.addf %add3A_120, %mul3A_130 : vector<16xf32>
      %iota3A_132 = tpu.iota {dimensions = array<i32: 0>} : vector<16xi32>
      %add3A_133 = arith.constant 48 : i32
      %add3A_134 = vector.broadcast %add3A_133 : i32 to vector<16xi32>
      %add3A_135 = arith.addi %iota3A_132, %add3A_134 : vector<16xi32>
      %gather3A_136 = arith.constant 0 : i32
      %gather3A_137 = arith.constant 0 : i32
      %gather3A_138 = tpu.memref_slice %arg6[%and3A_78, %gather3A_136, %gather3A_137] : memref<4x64x128xf32, #tpu.memory_space<vmem>> -> memref<1x64x128xf32, #tpu.memory_space<vmem>>
      %gather3A_139 = tpu.memref_squeeze %gather3A_138 : memref<1x64x128xf32, #tpu.memory_space<vmem>> -> memref<64x128xf32, #tpu.memory_space<vmem>>
      %gather3A_140 = tpu.vector_load_idx %gather3A_139[%add3A_135, %broadcast_in_dim3A] : memref<64x128xf32, #tpu.memory_space<vmem>>[vector<16xi32>, vector<16xi32>], vector<16xf32>,
      %mul3A_141 = arith.mulf %gather3A_140, %gather3A_140 : vector<16xf32>
      %add3A_142 = arith.addf %add3A_131, %mul3A_141 : vector<16xf32>
      %reduce_sum3A = arith.constant true
      %reduce_sum3A_143 = vector.broadcast %reduce_sum3A : i1 to vector<16xi1>
      %reduce_sum3A_144 = tpu.scan <sum>, %add3A_142 masked %reduce_sum3A_143 : vector<16xf32>, vector<16xi1> -> vector<16xf32>
      %reduce_sum3A_145 = vector.extract %reduce_sum3A_144[15] : f32 from vector<16xf32>
      %bitcast_convert_type3A = arith.bitcast %reduce_sum3A_145 : f32 to i32
      %shift_right_logical3A_146 = arith.constant 1 : i32
      %shift_right_logical3A_147 = arith.shrui %bitcast_convert_type3A, %shift_right_logical3A_146 : i32
      %sub3A = arith.constant 1597463007 : i32
      %sub3A_148 = arith.subi %sub3A, %shift_right_logical3A_147 : i32
      %bitcast_convert_type3A_149 = arith.bitcast %sub3A_148 : i32 to f32
      %mul3A_150 = arith.constant 5.000000e-01 : f32
      %mul3A_151 = arith.mulf %mul3A_150, %reduce_sum3A_145 : f32
      %mul3A_152 = arith.mulf %mul3A_151, %bitcast_convert_type3A_149 : f32
      %mul3A_153 = arith.mulf %mul3A_152, %bitcast_convert_type3A_149 : f32
      %sub3A_154 = arith.constant 1.500000e+00 : f32
      %sub3A_155 = arith.subf %sub3A_154, %mul3A_153 : f32
      %mul3A_156 = arith.mulf %bitcast_convert_type3A_149, %sub3A_155 : f32
      %mul3A_157 = arith.constant 5.000000e-01 : f32
      %mul3A_158 = arith.mulf %mul3A_157, %reduce_sum3A_145 : f32
      %mul3A_159 = arith.mulf %mul3A_158, %mul3A_156 : f32
      %mul3A_160 = arith.mulf %mul3A_159, %mul3A_156 : f32
      %sub3A_161 = arith.constant 1.500000e+00 : f32
      %sub3A_162 = arith.subf %sub3A_161, %mul3A_160 : f32
      %mul3A_163 = arith.mulf %mul3A_156, %sub3A_162 : f32
      %mul3A_164 = arith.constant 5.000000e-01 : f32
      %mul3A_165 = arith.mulf %mul3A_164, %reduce_sum3A_145 : f32
      %mul3A_166 = arith.mulf %mul3A_165, %mul3A_163 : f32
      %mul3A_167 = arith.mulf %mul3A_166, %mul3A_163 : f32
      %sub3A_168 = arith.constant 1.500000e+00 : f32
      %sub3A_169 = arith.subf %sub3A_168, %mul3A_167 : f32
      %mul3A_170 = arith.mulf %mul3A_163, %sub3A_169 : f32
      %mul3A_171 = vector.broadcast %mul3A_170 : f32 to vector<16xf32>
      %mul3A_172 = arith.mulf %gather3A_107, %mul3A_171 : vector<16xf32>
      %swap3A = arith.index_cast %scan3A_76 : i32 to index
      %swap3A_173 = arith.constant 0 : index
      %swap3A_174 = tpu.vector_load %arg7[%swap3A, %swap3A_173] {strides = array<i32>} : memref<512x128xf32, #tpu.memory_space<vmem>>, vector<16xf32>,
      tpu.vector_store %arg7[%swap3A, %swap3A_173], %mul3A_172 {strides = array<i32>} : memref<512x128xf32, #tpu.memory_space<vmem>>, vector<16xf32>,
      %mul3A_175 = vector.broadcast %mul3A_170 : f32 to vector<16xf32>
      %mul3A_176 = arith.mulf %gather3A_118, %mul3A_175 : vector<16xf32>
      %swap3A_177 = arith.index_cast %scan3A_76 : i32 to index
      %swap3A_178 = arith.constant 16 : index
      %swap3A_179 = tpu.vector_load %arg7[%swap3A_177, %swap3A_178] {strides = array<i32>} : memref<512x128xf32, #tpu.memory_space<vmem>>, vector<16xf32>,
      tpu.vector_store %arg7[%swap3A_177, %swap3A_178], %mul3A_176 {strides = array<i32>} : memref<512x128xf32, #tpu.memory_space<vmem>>, vector<16xf32>,
      %mul3A_180 = vector.broadcast %mul3A_170 : f32 to vector<16xf32>
      %mul3A_181 = arith.mulf %gather3A_129, %mul3A_180 : vector<16xf32>
      %swap3A_182 = arith.index_cast %scan3A_76 : i32 to index
      %swap3A_183 = arith.constant 32 : index
      %swap3A_184 = tpu.vector_load %arg7[%swap3A_182, %swap3A_183] {strides = array<i32>} : memref<512x128xf32, #tpu.memory_space<vmem>>, vector<16xf32>,
      tpu.vector_store %arg7[%swap3A_182, %swap3A_183], %mul3A_181 {strides = array<i32>} : memref<512x128xf32, #tpu.memory_space<vmem>>, vector<16xf32>,
      %mul3A_185 = vector.broadcast %mul3A_170 : f32 to vector<16xf32>
      %mul3A_186 = arith.mulf %gather3A_140, %mul3A_185 : vector<16xf32>
      %swap3A_187 = arith.index_cast %scan3A_76 : i32 to index
      %swap3A_188 = arith.constant 48 : index
      %swap3A_189 = tpu.vector_load %arg7[%swap3A_187, %swap3A_188] {strides = array<i32>} : memref<512x128xf32, #tpu.memory_space<vmem>>, vector<16xf32>,
      tpu.vector_store %arg7[%swap3A_187, %swap3A_188], %mul3A_186 {strides = array<i32>} : memref<512x128xf32, #tpu.memory_space<vmem>>, vector<16xf32>,
      %scan3A_190 = arith.constant 0 : i32
      scf.yield %scan3A_190 : i32
    }
    %scan3A_75 = arith.constant 3 : i32
    "tpu.region"() ({
      %run_scoped3A = tpu.sem_alloc : memref<!tpu.dma_semaphore, #tpu.memory_space<semaphore_mem>>
      %dma_start3A_76 = arith.constant 0 : i32
      %dma_start3A_77 = tpu.memref_slice %arg4[%mul3A_2, %dma_start3A_76] : memref<16384x128xf32, #tpu.memory_space<hbm>> -> memref<512x128xf32, #tpu.memory_space<hbm>>
      %dma_start3A_78 = arith.constant 0 : i32
      %dma_start3A_79 = tpu.memref_slice %arg4[%mul3A_2, %dma_start3A_78] : memref<16384x128xf32, #tpu.memory_space<hbm>> -> memref<512x128xf32, #tpu.memory_space<hbm>>
      tpu.enqueue_dma source(%arg7 : memref<512x128xf32, #tpu.memory_space<vmem>>) target(%dma_start3A_79 : memref<512x128xf32, #tpu.memory_space<hbm>>) target_semaphore(%run_scoped3A : memref<!tpu.dma_semaphore, #tpu.memory_space<semaphore_mem>>)
      %dma_wait3A = arith.constant 0 : i32
      %dma_wait3A_80 = tpu.memref_slice %arg4[%mul3A_2, %dma_wait3A] : memref<16384x128xf32, #tpu.memory_space<hbm>> -> memref<512x128xf32, #tpu.memory_space<hbm>>
      %dma_wait3A_81 = arith.constant 0 : i32
      %dma_wait3A_82 = tpu.memref_slice %arg4[%mul3A_2, %dma_wait3A_81] : memref<16384x128xf32, #tpu.memory_space<hbm>> -> memref<512x128xf32, #tpu.memory_space<hbm>>
      tpu.wait_dma2 semaphore(%run_scoped3A : memref<!tpu.dma_semaphore, #tpu.memory_space<semaphore_mem>>) src(%arg7 : memref<512x128xf32, #tpu.memory_space<vmem>>) dst(%dma_wait3A_82 : memref<512x128xf32, #tpu.memory_space<hbm>>)
      tpu.yield
    }) : () -> ()
    return
  }
}

</mosaic_0001>

<sc_bundles>
// kernel: _sc_call.3.cloned.1.call-start
scs
__scs_entry_jumppad:
0x0: {  	(pc) =	sbr.rel $0x88, $3  }
0x1: {  	(tag) =	ssettag $0x0;
	lr =	simm.s32 $0x1  }
0x2: {  	[smem:$0x3F9F] =	sst lr;
	_ =	strace $0xD0000000  }
0x3: {  	_ = 	snop  }
0x4: {  	_ = 	snop  }
0x5: {  	_ = 	snop  }
0x6: {  	_ = 	snop  }
0x7: {  	_ = 	snop  }
__scs_overlays_trampoline_lowered:
0x8: {  	[smem:$0x3FAE] =	sst s0  }
0x9: {  	[smem:$0x3FAF] =	sst s1  }
0xa: {  	[smem:$0x3FB0] =	sst s2  }
0xb: {  	[smem:$0x3FB1] =	sst s3  }
0xc: {  	[smem:$0x3FB2] =	sst s4  }
0xd: {  	[smem:$0x3FB3] =	sst s5  }
0xe: {  	[smem:$0x3FB4] =	sst s6  }
0xf: {  	[smem:$0x3FB5] =	sst s7  }
0x10: {  	[smem:$0x3FB6] =	sst s8  }
0x11: {  	[smem:$0x3FB7] =	sst s9;
	s0 =	simm.s32 @!p0 $0x0  }
0x12: {  	s1 =	sld [smem:$0x3F9D];
	s0 =	simm.s32 @p0 $0x1  }
0x13: {  	[smem:$0x3FB8] =	sst s0;
	s0 =	simm.s32 @!p1 $0x0  }
0x14: {  	s2 =	sld [smem:$0x3F9C];
	s0 =	simm.s32 @p1 $0x1  }
0x15: {  	[smem:$0x3FB9] =	sst s0;
	s0 =	simm.s32 @!p2 $0x0  }
0x16: {  	s3 =	sld [smem:$0x3FDB];
	s0 =	simm.s32 @p2 $0x1  }
0x17: {  	s4 =	simm.s32 $0x1BF5;
	[smem:$0x3FBB] =	sst s0  }
0x18: {  	s0 =	sld [smem:$0x3F9E];
	_ =	swait.ge [sflag:s4], $0x0  }
0x19: {  	s7 =	sld [smem:$0x3F9F]  }
0x1a: {  	s8 =	sadd.s32 $0xFFFFE003, lr  }
0x1b: {  	s9 =	sadd.s32 $0xFFFFFEF7, lr;
	s5 =	simm.s32 $0xFFFFFFFF;
	p2 =	slt.u32 s8, $0xFFFFF086  }
0x1c: {  	p1 =	slt.u32 s9, $0xF7A;
	s5 =	simm.s32 @!p2 $0x0  }
0x1d: {  	s5 =	simm.s32 @p1 $0x1;
	p0 =	seq.s32 s7, s2  }
0x1e: {  	s7 =	smul.u32 @!p0 $0xF7A, s2;
	p2 =	seq.s32 @!p0 s5, $0x0  }
0x1f: {  	s9 =	smul.u32 $0xF7A, s1;
	s8 =	simm.s32 @!p0 $0x1BF5;
	p2 =	por !p2, p0  }
0x20: {  	[sflag:s8] =	ssyncset.s32 @!p0 $0xFFFFF086;
	s6 =	sadd.s32 @!p0 s3, s7;
	s7 =	simm.s32 @!p0 $0x108  }
0x21: {  	s3 =	sadd.s32 s3, s9;
	s6 =	sadd.s32 @!p0 $0x88, s6;
	s7 =	simm.s32 @p2 $0x1082  }
0x22: {  	[simem:s7], [sflag:s8] =	dma.local @!p0 [hbm:s6], $0xF7A  }
0x23: {  	s9 =	sor.u32 $0xD0000000, s2;
	s6 =	simm.s32 $0x108;
	_ =	swait.ge @!p0 [sflag:s8], $0x0  }
0x24: {  	s3 =	sadd.s32 $0x88, s3;
	s6 =	simm.s32 @!p1 $0x1082;
	[sflag:s4] =	ssyncset.s32 $0xFFFFF086  }
0x25: {  	[simem:s6], [sflag:s4] =	dma.local [hbm:s3], $0xF7A  }
0x26: {  	[smem:$0x3F9F] =	sst s1;
	(tag) =	ssettag s2;
	_ =	strace s9  }
0x27: {  	s1 =	sld [smem:$0x3FAF]  }
0x28: {  	s2 =	sld [smem:$0x3FB0]  }
0x29: {  	s4 =	sld [smem:$0x3FB2]  }
0x2a: {  	p0 =	seq.s32 s5, $0x0;
	s5 =	sld [smem:$0x3FB3]  }
0x2b: {  	s6 =	sld [smem:$0x3FB4]  }
0x2c: {  	s7 =	sld [smem:$0x3FB5]  }
0x2d: {  	s3 =	simm.s32 $0x108;
	s8 =	sld [smem:$0x3FB6]  }
0x2e: {  	s3 =	simm.s32 @!p0 $0x1082;
	s9 =	sld [smem:$0x3FB7]  }
0x2f: {  	lr =	sadd.s32 s0, s3;
	s0 =	sld [smem:$0x3FAE]  }
0x30: {  	s3 =	sld [smem:$0x3FB1]  }
0x31: {  	[smem:$0x3FBA] =	sst s10  }
0x32: {  	s10 =	sld [smem:$0x3FB8];
	_ =	sdelay $0x3  }
0x33: {  	p0 =	seq.s32 s10, $0x1;
	s10 =	sld [smem:$0x3FBA];
	_ =	sdelay $0x3  }
0x34: {  	[smem:$0x3FBA] =	sst s10  }
0x35: {  	s10 =	sld [smem:$0x3FB9];
	_ =	sdelay $0x3  }
0x36: {  	p1 =	seq.s32 s10, $0x1;
	s10 =	sld [smem:$0x3FBA];
	_ =	sdelay $0x3  }
0x37: {  	[smem:$0x3FBA] =	sst s10  }
0x38: {  	s10 =	sld [smem:$0x3FBB]  }
0x39: {  	_ = 	snop;
	(pc) =	sbr.ind lr, $3  }
0x3a: {  	_ = 	snop  }
0x3b: {  	_ = 	snop  }
0x3c: {  	p2 =	seq.s32 s10, $0x1;
	s10 =	sld [smem:$0x3FBA]  }
0x3d: {  	_ =	shalt  }
0x3e: {  	_ =	shalt  }
0x3f: {  	_ =	shalt  }
0x40: {  	_ =	shalt  }
0x41: {  	_ =	shalt  }
0x42: {  	_ =	shalt  }
0x43: {  	_ =	shalt  }
0x44: {  	_ =	shalt  }
0x45: {  	_ =	shalt  }
0x46: {  	_ =	shalt  }
0x47: {  	_ =	shalt  }
0x48: {  	_ =	shalt  }
0x49: {  	_ =	shalt  }
0x4a: {  	_ =	shalt  }
0x4b: {  	_ =	shalt  }
0x4c: {  	_ =	shalt  }
0x4d: {  	_ =	shalt  }
0x4e: {  	_ =	shalt  }
0x4f: {  	_ =	shalt  }
0x50: {  	_ =	shalt  }
0x51: {  	_ =	shalt  }
0x52: {  	_ =	shalt  }
0x53: {  	_ =	shalt  }
0x54: {  	_ =	shalt  }
0x55: {  	_ =	shalt  }
0x56: {  	_ =	shalt  }
0x57: {  	_ =	shalt  }
0x58: {  	_ =	shalt  }
0x59: {  	_ =	shalt  }
0x5a: {  	_ =	shalt  }
0x5b: {  	_ =	shalt  }
0x5c: {  	_ =	shalt  }
0x5d: {  	_ =	shalt  }
0x5e: {  	_ =	shalt  }
0x5f: {  	_ =	shalt  }
0x60: {  	_ =	shalt  }
0x61: {  	_ =	shalt  }
0x62: {  	_ =	shalt  }
0x63: {  	_ =	shalt  }
0x64: {  	_ =	shalt  }
0x65: {  	_ =	shalt  }
0x66: {  	_ =	shalt  }
0x67: {  	_ =	shalt  }
0x68: {  	_ =	shalt  }
0x69: {  	_ =	shalt  }
0x6a: {  	_ =	shalt  }
0x6b: {  	_ =	shalt  }
0x6c: {  	_ =	shalt  }
0x6d: {  	_ =	shalt  }
0x6e: {  	_ =	shalt  }
0x6f: {  	_ =	shalt  }
0x70: {  	_ =	shalt  }
0x71: {  	_ =	shalt  }
0x72: {  	_ =	shalt  }
0x73: {  	_ =	shalt  }
0x74: {  	_ =	shalt  }
0x75: {  	_ =	shalt  }
0x76: {  	_ =	shalt  }
0x77: {  	_ =	shalt  }
0x78: {  	_ =	shalt  }
0x79: {  	_ =	shalt  }
0x7a: {  	_ =	shalt  }
0x7b: {  	_ =	shalt  }
0x7c: {  	_ =	shalt  }
0x7d: {  	_ =	shalt  }
0x7e: {  	_ =	shalt  }
0x7f: {  	_ =	shalt  }
0x80: {  	_ =	shalt  }
0x81: {  	_ =	shalt  }
0x82: {  	_ =	shalt  }
0x83: {  	_ =	shalt  }
0x84: {  	_ =	shalt  }
0x85: {  	_ =	shalt  }
0x86: {  	_ =	shalt  }
0x87: {  	_ =	shalt  }
.Lfunc_end0:
.L_simem_size_0:
called_computation_lowered:
.L_overlay_start_0:
0x88: {  	s2 =	sld [smem:$0x3FD9]  }
0x89: {  	s3 =	sld [smem:$0x3FFE];
	_ =	sdelay $0x1  }
0x8a: {  	s1 =	srdreg.scid  }
0x8b: {  	s0 =	sand.u32 $0x1, s1  }
0x8c: {  	s18 =	sshll.u32 s0, $0xA;
	s2 =	sadd.s32 s3, s2  }
0x8d: {  	s2 =	sadd.s32 s2, s18  }
0x8e: {  	[smem:$0x3FC6] =	sst s2  }
0x8f: {  	_ = 	snop  }
0x90: {  	s2 =	sld [smem:$0x3FC9]  }
0x91: {  	s19 =	sld [smem:$0x3FC8]  }
0x92: {  	s4 =	sld [smem:$0x3FD0];
	(tm) =	ssettm $0x1  }
0x93: {  	s5 =	sld [smem:$0x3FFB];
	_ =	sdelay $0x3  }
0x94: {  	_ =	strace s5  }
0x95: {  	s5 =	sld [smem:$0x3FFC];
	_ =	sdelay $0x3  }
0x96: {  	_ =	strace s5  }
0x97: {  	s5 =	sld [smem:$0x3FFD];
	_ =	sdelay $0x3  }
0x98: {  	_ =	strace s5  }
0x99: {  	_ =	strace $0x8FFFFFFF  }
0x9a: {  	s20 =	sld [smem:$0x3FDB];
	_ =	sdelay $0x1  }
0x9b: {  	s6 =	simm.s32 $_scs_section_size  }
0x9c: {  	s7 =	simm.s32 $_size__tile_overlayer_lowered;
	s8 =	simm.s32 $_tile_overlayer_lowered  }
0x9d: {  	s23 =	simm.s32 $0x1BFF;
	s22 =	sshll.u32 s8, $0x1;
	s5 =	sadd.s32 s6, s20  }
0x9e: {  	s9 =	simm.s32 $0x0;
	s21 =	sshll.u32 s7, $0x1;
	s7 =	sadd.s32 s22, s5  }
0x9f: {  	[timem:s9], [sflag:s23] =	dma.local [hbm:s7], s21  }
0xa0: {  	_ =	swait.ge [sflag:s23], s21  }
0xa1: {  	s6 =	ssub.s32 $0x0, s21;
	[sflag:s23] =	ssyncset.done $0x0  }
0xa2: {  	[sflag:s23] =	ssyncadd.s32 s6;
	_ =	sdelay $0x1  }
0xa3: {  	s24 =	simm.s32 $0x1B8B  }
0xa4: {  	_ =	swait.ge [sflag:s24], $0x1  }
0xa5: {  	[sflag:s24] =	ssyncset.done $0x0  }
0xa6: {  	s25 =	simm.s32 $0x1B8E;
	[sflag:s24] =	ssyncadd.s32 $0xFFFFFFFF  }
0xa7: {  	s26 =	simm.s32 $execute0_lowered;
	[smem:$0x3FD2] =	sst s25  }
0xa8: {  	s6 =	sshll.u32 s26, $0x1;
	_ =	strace $0x80000046;
	[dreg:$0x1] =	wrdreg $0xFFFFFFFF  }
0xa9: {  	s28 =	simm.s32 $_size_execute0_lowered;
	s5 =	sadd.s32 s5, s6;
	[dreg:$0x0] =	wrdreg $0x0  }
0xaa: {  	s6 =	sshll.u32 s28, $0x1;
	[dreg:$0x2] =	wrdreg s5  }
0xab: {  	[dreg:$0x3] =	wrdreg s6  }
0xac: {  	[dreg:$0x4] =	wrdreg $0xC0  }
0xad: {  	_ =	task [dreg:s9], $0x5FFFF  }
0xae: {  	[dreg:$0x1] =	wrdreg $0xFFFFFFFF  }
0xaf: {  	[dreg:$0x0] =	wrdreg $0x60  }
0xb0: {  	[dreg:$0x2] =	wrdreg s2  }
0xb1: {  	[dreg:$0x3] =	wrdreg s19  }
0xb2: {  	[dreg:$0x4] =	wrdreg s4  }
0xb3: {  	[dreg:$0x5] =	wrdreg $0x9  }
0xb4: {  	_ =	task.clear_ibuf [dreg:s9], $0x6FFFF;
	_ =	strace $0x90000046  }
0xb5: {  	s29 =	simm.s32 $0x9;
	_ =	strace $0x80000048  }
0xb6: {  	_ =	swait.ge [sflag:s29], $0x1  }
0xb7: {  	[sflag:s29] =	ssyncadd.s32 $0xFFFFFFFF  }
0xb8: {  	_ =	strace $0x90000048  }
0xb9: {  	_ =	sfence  }
0xba: {  	s30 =	sld [smem:$0x0];
	_ =	sdelay $0x2  }
0xbb: {  	s31 =	sshll.u32 s1, $0xD;
	s1 =	sshrl.u32 s1, $0x2  }
0xbc: {  	s3 =	sand.u32 $0x4000, s31;
	s1 =	sadd.s32 s1, s30  }
0xbd: {  	s0 =	sor.u32 s3, s0;
	s1 =	sshll.u32 s1, $0x11  }
0xbe: {  	s0 =	sor.u32 s1, s0  }
0xbf: {  	s0 =	sadd.s32 $0x8F2B, s0  }
0xc0: {  	[sflag:s0] =	ssyncadd.remote.s32 $0x1  }
0xc1: {  	_ =	sfence.sel $0xFFFF  }
0xc2: {  	[dreg:$0x0] =	wrdreg $0xFFFFFFFF;
	(pc) =	sbr.abs _section_cstart, $3  }
0xc3: {  	[dreg:$0x1] =	wrdreg $0xFFFFFFFF  }
0xc4: {  	_ =	task.clear_ibuf [dreg:s9], $0x2FFFF;
	_ =	strace $0x9FFFFFFF  }
0xc5: {  	(tm) =	ssettm $0x7FFFFFFF  }
tec
execute0_lowered:
.L_overlay_start_1:
0x0: {  	(tag) =	ssettag $0x1  }
0x1: {  	s1 =	rddreg [dreg:$0x0]  }
0x2: {  	s4 =	rddreg [dreg:$0x1]  }
0x3: {  	s5 =	rddreg [dreg:$0x2]  }
0x4: {  	s0 =	rddreg [dreg:$0x3];
	s3 =	simm.s32 $0x0;
	s6 =	srdreg.scid  }
0x5: {  	s2 =	stileid.u32;
	s10 =	simm.s32 $0x280;
	s11 =	simm.s32 $0x2280  }
0x6: {  	s12 =	simm.s32 $0x4280;
	s13 =	simm.s32 $0x1;
	s14 =	simm.s32 $0x8280  }
0x7: {  	s15 =	simm.s32 $0x0;
	[smem:$0x7FF] =	sst s3;
	s6 =	sand.u32 $0x1, s6  }
0x8: {  	s8 =	sshll.u32 s2, $0xA;
	s7 =	ssub.s32 $0x2, s6;
	s6 =	sshll.u32 s6, $0x9  }
0x9: {  	v0 =	vlaneseq.u32;
	_ =	strace $0x80000047;
	s9 =	sshrl.u32 s7, $0x1;
	s6 =	sor.u32 s6, s8  }
0xa: {  	v0 =	vmul.u32 $0x80, v0;
	s7 =	ssub.s32 s7, s9;
	s8 =	sshrl.u32 s6, $0x3;
	s6 =	sshll.u32 s6, $0x4  }
0xb: {  	s9 =	simm.s32 $0x7A1400;
	s4 =	sadd.s32 s4, s8;
	s5 =	sadd.s32 s5, s6  }
0xc: {  	v1 =	vor.u32 $0x800, v0;
	v2 =	vor.u32 $0x1000, v0;
	v3 =	vor.u32 $0x1800, v0;
	s6 =	smax.u32 s7, $0x1;
	s7 =	simm.s32 $0x2;
	s8 =	simm.s32 $0x400  }
.LBB2_1:
0xd: {  	[tilespmem:s3], [sflag:$0x2] =	stream.linear.gather [hbm4b:s4+s3], $0x200, $0x38;
	[tilespmem:$0x18280] =	vst v63  }
0xe: {  	_ =	swait.ge [sflag:s7], $0x200  }
0xf: {  	[sflag:s7] =	ssyncset.done $0x0  }
0x10: {  	[sflag:s7] =	ssyncadd.s32 $0xFFFFFE00  }
0x11: {  	v4 =	vld [tilespmem:$0x0];
	_ =	sdelay $0x4  }
0x12: {  	(v2sf) =	vpush v4, $0x0;
	_ =	sdelay $0xe  }
0x13: {  	s16 =	spop (v2sf)  }
0x14: {  	s16 =	sand.u32 $0xFFFFF80, s16  }
0x15: {  	s16 =	sadd.s32 s1, s16  }
0x16: {  	[tilespmem:s10], [sflag:$0x1] =	stream.strided.gather [hbm4b:s16+s8], $0x2000, s9, s8, $0x38;
	[tilespmem:$0x18280] =	vst v63  }
0x17: {  	v4 =	vld [tilespmem:$0x1];
	_ =	sdelay $0x4  }
0x18: {  	(v2sf) =	vpush v4, $0x0;
	_ =	sdelay $0xe  }
0x19: {  	s30 =	spop (v2sf)  }
0x1a: {  	s16 =	sand.u32 $0xFFFFF80, s30  }
0x1b: {  	s16 =	sadd.s32 s1, s16  }
0x1c: {  	[tilespmem:s11], [sflag:$0x1] =	stream.strided.gather [hbm4b:s16+s8], $0x2000, s9, s8, $0x38;
	[tilespmem:$0x18280] =	vst v63  }
0x1d: {  	v4 =	vld [tilespmem:$0x2];
	_ =	sdelay $0x4  }
0x1e: {  	(v2sf) =	vpush v4, $0x0;
	_ =	sdelay $0xe  }
0x1f: {  	s31 =	spop (v2sf)  }
0x20: {  	s16 =	sand.u32 $0xFFFFF80, s31  }
0x21: {  	s16 =	sadd.s32 s1, s16  }
0x22: {  	[tilespmem:s12], [sflag:$0x1] =	stream.strided.gather [hbm4b:s16+s8], $0x2000, s9, s8, $0x38;
	[tilespmem:$0x18280] =	vst v63  }
0x23: {  	s17 =	simm.s32 $0x82A0;
	s18 =	simm.s32 $0x3;
	s16 =	simm.s32 $0x6000  }
.LBB2_2:
0x24: {  	v4 =	vld [tilespmem:s18+$0x0];
	_ =	sdelay $0x4  }
0x25: {  	(v2sf) =	vpush v4, $0x0;
	_ =	sdelay $0xe  }
0x26: {  	s19 =	spop (v2sf)  }
0x27: {  	s20 =	sand.u32 $0x6000, s16;
	s19 =	sand.u32 $0xFFFFF80, s19  }
0x28: {  	s20 =	sor.u32 $0x280, s20;
	s19 =	sadd.s32 s1, s19  }
0x29: {  	[tilespmem:s20], [sflag:$0x1] =	stream.strided.gather [hbm4b:s19+s8], $0x2000, s9, s8, $0x38;
	[tilespmem:$0x18280] =	vst v63  }
0x2a: {  	v4 =	vld [tilespmem:s18+$0xFFFFFFFD];
	_ =	sdelay $0x4  }
0x2b: {  	(v2sf) =	vpush v4, $0x0;
	_ =	sdelay $0xe  }
0x2c: {  	s28 =	spop (v2sf)  }
0x2d: {  	s19 =	sand.u32 $0x7F, s28  }
0x2e: {  	v4 =	vor.u32 s19, v0  }
0x2f: {  	v5 =	vor.u32 s19, v1  }
0x30: {  	s29 =	sadd.s32 $0xFFFFA000, s16;
	_ =	swait.ge [sflag:s13], $0x2000  }
0x31: {  	s20 =	sand.u32 $0x6000, s29;
	[sflag:s13] =	ssyncset.done $0x0;
	v6 =	vor.u32 s19, v2  }
0x32: {  	s20 =	sor.u32 $0x280, s20;
	[sflag:s13] =	ssyncadd.s32 $0xFFFFE000  }
0x33: {  	v7 =	vor.u32 s19, v3;
	v4 =	vld.idx.msk [tilespmem:v4+s20+$0x0], $0xffff  }
0x34: {  	v5 =	vld.idx.msk [tilespmem:v5+s20+$0x0], $0xffff;
	_ =	sdelay $0x1  }
0x35: {  	v6 =	vld.idx.msk [tilespmem:v6+s20+$0x0], $0xffff;
	_ =	sdelay $0x1  }
0x36: {  	v7 =	vld.idx.msk [tilespmem:v7+s20+$0x0], $0xffff  }
0x37: {  	v8 =	vmul.f32 v4, v4;
	v9 =	vmul.f32 v5, v5;
	_ =	sdelay $0x1  }
0x38: {  	v62 =	vmul.f32 v6, v6;
	v8 =	vadd.f32 v9, v8;
	_ =	sdelay $0x1  }
0x39: {  	v63 =	vmul.f32 v7, v7;
	v8 =	vadd.f32 v62, v8;
	_ =	sdelay $0x1  }
0x3a: {  	v8 =	vadd.f32 v63, v8;
	_ =	sdelay $0x1  }
0x3b: {  	(xrf2) =	vadd.scan.msk.f32 $0xffff, v8;
	_ =	sdelay $0x9  }
0x3c: {  	v8, _, _ =	vpop (xrf2)  }
0x3d: {  	(v2sf) =	vpush v8, $0xF;
	_ =	sdelay $0xe  }
0x3e: {  	s30 =	spop (v2sf)  }
0x3f: {  	s31 =	sshrl.u32 s30, $0x1;
	s19 =	smul.f32 $5.000000000e-01, s30  }
0x40: {  	s20 =	ssub.s32 $0x5F3759DF, s31  }
0x41: {  	s21 =	smul.f32 s20, s19;
	_ =	sdelay $0x1  }
0x42: {  	s21 =	smul.f32 s20, s21;
	_ =	sdelay $0x1  }
0x43: {  	s21 =	ssub.f32 $1.500000000e+00, s21;
	_ =	sdelay $0x1  }
0x44: {  	s20 =	smul.f32 s20, s21;
	_ =	sdelay $0x1  }
0x45: {  	s21 =	smul.f32 s20, s19;
	_ =	sdelay $0x1  }
0x46: {  	s21 =	smul.f32 s21, s20;
	_ =	sdelay $0x1  }
0x47: {  	s21 =	ssub.f32 $1.500000000e+00, s21;
	_ =	sdelay $0x1  }
0x48: {  	s20 =	smul.f32 s21, s20;
	_ =	sdelay $0x1  }
0x49: {  	s19 =	smul.f32 s20, s19;
	_ =	sdelay $0x1  }
0x4a: {  	s19 =	smul.f32 s19, s20;
	_ =	sdelay $0x1  }
0x4b: {  	s19 =	ssub.f32 $1.500000000e+00, s19;
	_ =	sdelay $0x1  }
0x4c: {  	s19 =	smul.f32 s19, s20;
	_ =	sdelay $0x1  }
0x4d: {  	p0 =	sne.s32 s16, $0x3FE000;
	v4 =	vmul.f32 s19, v4  }
.Ltmp0:
0x4e: {  	v5 =	vmul.f32 s19, v5;
	(pc) =	sbr.rel @p0 .LBB2_2-.Ltmp0, $4  }
0x4f: {  	[tilespmem:s17+$0xFFFFFFE0] =	vst v4;
	v4 =	vmul.f32 s19, v6  }
0x50: {  	[tilespmem:s17+$0xFFFFFFF0] =	vst v5;
	v5 =	vmul.f32 s19, v7  }
0x51: {  	[tilespmem:s17+$0x0] =	vst v4  }
0x52: {  	s16 =	sadd.s32 $0x2000, s16;
	s18 =	sadd.s32 $0x1, s18;
	[tilespmem:s17+$0x10] =	vst v5;
	s17 =	sadd.s32 $0x80, s17  }
0x53: {  	s16 =	simm.s32 $0x1FD  }
0x54: {  	v4 =	vld [tilespmem:s16+$0x0];
	_ =	sdelay $0x4  }
0x55: {  	(v2sf) =	vpush v4, $0x0;
	_ =	sdelay $0xe  }
0x56: {  	s30 =	spop (v2sf)  }
0x57: {  	s17 =	sand.u32 $0x7F, s30  }
0x58: {  	v4 =	vor.u32 s17, v0  }
0x59: {  	v5 =	vor.u32 s17, v1  }
0x5a: {  	_ =	swait.ge [sflag:s13], $0x2000  }
0x5b: {  	v6 =	vor.u32 s17, v2;
	[sflag:s13] =	ssyncset.done $0x0  }
0x5c: {  	s16 =	simm.s32 $0x2280;
	[sflag:s13] =	ssyncadd.s32 $0xFFFFE000  }
0x5d: {  	v7 =	vor.u32 s17, v3;
	v8 =	vld.idx.msk [tilespmem:v4+s16+$0x0], $0xffff  }
0x5e: {  	v4 =	vld.idx.msk [tilespmem:v5+s16+$0x0], $0xffff;
	_ =	sdelay $0x1  }
0x5f: {  	v5 =	vld.idx.msk [tilespmem:v6+s16+$0x0], $0xffff;
	_ =	sdelay $0x1  }
0x60: {  	v7 =	vld.idx.msk [tilespmem:v7+s16+$0x0], $0xffff  }
0x61: {  	v6 =	vmul.f32 v8, v8;
	v9 =	vmul.f32 v4, v4;
	_ =	sdelay $0x1  }
0x62: {  	v10 =	vmul.f32 v5, v5;
	v6 =	vadd.f32 v9, v6;
	_ =	sdelay $0x1  }
0x63: {  	v63 =	vmul.f32 v7, v7;
	v6 =	vadd.f32 v10, v6;
	_ =	sdelay $0x1  }
0x64: {  	v6 =	vadd.f32 v63, v6;
	_ =	sdelay $0x1  }
0x65: {  	(xrf2) =	vadd.scan.msk.f32 $0xffff, v6;
	_ =	sdelay $0x9  }
0x66: {  	v6, _, _ =	vpop (xrf2)  }
0x67: {  	(v2sf) =	vpush v6, $0xF;
	_ =	sdelay $0xe  }
0x68: {  	s31 =	spop (v2sf)  }
0x69: {  	s18 =	sshrl.u32 s31, $0x1;
	s17 =	smul.f32 $5.000000000e-01, s31  }
0x6a: {  	s18 =	ssub.s32 $0x5F3759DF, s18  }
0x6b: {  	s19 =	smul.f32 s18, s17;
	_ =	sdelay $0x1  }
0x6c: {  	s19 =	smul.f32 s18, s19;
	_ =	sdelay $0x1  }
0x6d: {  	s19 =	ssub.f32 $1.500000000e+00, s19;
	_ =	sdelay $0x1  }
0x6e: {  	s18 =	smul.f32 s18, s19;
	_ =	sdelay $0x1  }
0x6f: {  	s19 =	smul.f32 s18, s17;
	_ =	sdelay $0x1  }
0x70: {  	s19 =	smul.f32 s19, s18;
	_ =	sdelay $0x1  }
0x71: {  	s19 =	ssub.f32 $1.500000000e+00, s19;
	_ =	sdelay $0x1  }
0x72: {  	s18 =	smul.f32 s19, s18;
	_ =	sdelay $0x1  }
0x73: {  	s17 =	smul.f32 s18, s17;
	_ =	sdelay $0x1  }
0x74: {  	s17 =	smul.f32 s17, s18;
	_ =	sdelay $0x1  }
0x75: {  	s17 =	ssub.f32 $1.500000000e+00, s17;
	_ =	sdelay $0x1  }
0x76: {  	s20 =	smul.f32 s17, s18;
	_ =	sdelay $0x1  }
0x77: {  	s21 =	simm.s32 $0x200;
	s17 =	simm.s32 $0x0;
	s18 =	simm.s32 $0x1FE;
	v6 =	vmul.f32 s20, v8;
	v7 =	vmul.f32 s20, v7  }
.LBB2_4:
0x78: {  	s19 =	smov.u32 s21  }
0x79: {  	s22 =	sshra.s32 s21, $0x2;
	v4 =	vmul.f32 s20, v4;
	v5 =	vmul.f32 s20, v5;
	s16 =	sadd.s32 $0x2000, s16;
	s19 =	sadd.s32 $0x200, s21  }
0x7a: {  	p0 =	sne.s32 s21, $0x400;
	[tilespmem:s17+$0x18130] =	vst v7  }
0x7b: {  	[tilespmem:s17+$0x18100] =	vst v6  }
0x7c: {  	[tilespmem:s17+$0x18110] =	vst v4  }
0x7d: {  	[tilespmem:s17+$0x18120] =	vst v5;
	s17 =	smov.u32 s22  }
0x7e: {  	v4 =	vld [tilespmem:s18+$0x0];
	_ =	sdelay $0x4  }
0x7f: {  	(v2sf) =	vpush v4, $0x0;
	_ =	sdelay $0xe  }
0x80: {  	s20 =	spop (v2sf)  }
0x81: {  	s20 =	sand.u32 $0x7F, s20  }
0x82: {  	v4 =	vor.u32 s20, v0;
	v5 =	vor.u32 s20, v1;
	v6 =	vor.u32 s20, v2  }
0x83: {  	v7 =	vor.u32 s20, v3  }
0x84: {  	_ =	swait.ge [sflag:s13], $0x2000  }
0x85: {  	[sflag:s13] =	ssyncset.done $0x0  }
0x86: {  	[sflag:s13] =	ssyncadd.s32 $0xFFFFE000  }
0x87: {  	v8 =	vld.idx.msk [tilespmem:v4+s16+$0x0], $0xffff  }
0x88: {  	v4 =	vld.idx.msk [tilespmem:v5+s16+$0x0], $0xffff  }
0x89: {  	v5 =	vld.idx.msk [tilespmem:v6+s16+$0x0], $0xffff;
	_ =	sdelay $0x1  }
0x8a: {  	v7 =	vld.idx.msk [tilespmem:v7+s16+$0x0], $0xffff;
	_ =	sdelay $0x1  }
0x8b: {  	v6 =	vmul.f32 v8, v8  }
0x8c: {  	v9 =	vmul.f32 v4, v4  }
0x8d: {  	v10 =	vmul.f32 v5, v5  }
0x8e: {  	v6 =	vadd.f32 v9, v6  }
0x8f: {  	v9 =	vmul.f32 v7, v7  }
0x90: {  	v6 =	vadd.f32 v10, v6;
	_ =	sdelay $0x1  }
0x91: {  	v6 =	vadd.f32 v9, v6;
	_ =	sdelay $0x1  }
0x92: {  	(xrf2) =	vadd.scan.msk.f32 $0xffff, v6;
	_ =	sdelay $0x9  }
0x93: {  	v6, _, _ =	vpop (xrf2)  }
0x94: {  	(v2sf) =	vpush v6, $0xF;
	_ =	sdelay $0xe  }
0x95: {  	s20 =	spop (v2sf)  }
0x96: {  	s21 =	sshrl.u32 s20, $0x1;
	s20 =	smul.f32 $5.000000000e-01, s20  }
0x97: {  	s21 =	ssub.s32 $0x5F3759DF, s21  }
0x98: {  	s22 =	smul.f32 s21, s20;
	_ =	sdelay $0x1  }
0x99: {  	s22 =	smul.f32 s21, s22;
	_ =	sdelay $0x1  }
0x9a: {  	s22 =	ssub.f32 $1.500000000e+00, s22;
	_ =	sdelay $0x1  }
0x9b: {  	s21 =	smul.f32 s21, s22;
	_ =	sdelay $0x1  }
0x9c: {  	s22 =	smul.f32 s21, s20;
	_ =	sdelay $0x1  }
0x9d: {  	s22 =	smul.f32 s22, s21;
	_ =	sdelay $0x1  }
0x9e: {  	s22 =	ssub.f32 $1.500000000e+00, s22;
	_ =	sdelay $0x1  }
0x9f: {  	s21 =	smul.f32 s22, s21;
	_ =	sdelay $0x1  }
0xa0: {  	s20 =	smul.f32 s21, s20;
	_ =	sdelay $0x1  }
0xa1: {  	s20 =	smul.f32 s20, s21;
	_ =	sdelay $0x1  }
.Ltmp1:
0xa2: {  	s20 =	ssub.f32 $1.500000000e+00, s20;
	(pc) =	sbr.rel @p0 .LBB2_4-.Ltmp1, $3  }
0xa3: {  	_ = 	snop  }
0xa4: {  	s20 =	smul.f32 s20, s21;
	_ =	sdelay $0x1  }
0xa5: {  	s18 =	sadd.s32 $0x1, s18;
	s21 =	smov.u32 s19;
	v6 =	vmul.f32 s20, v8;
	v7 =	vmul.f32 s20, v7  }
0xa6: {  	_ = 	snop  }
0xa7: {  	v4 =	vmul.f32 s20, v4;
	[tilespmem:s17+$0x18130] =	vst v7  }
0xa8: {  	v5 =	vmul.f32 s20, v5;
	s15 =	sadd.s32 $0x1, s15;
	[tilespmem:s17+$0x18100] =	vst v6  }
0xa9: {  	p0 =	sne.s32 s15, s6;
	[tilespmem:s17+$0x18110] =	vst v4  }
.Ltmp2:
0xaa: {  	[tilespmem:s17+$0x18120] =	vst v5;
	(pc) =	sbr.rel @p0 .LBB2_1-.Ltmp2, $4  }
0xab: {  	[hbm4b:s5+s3] =	stream.linear.scatter [tilespmem:s14], [sflag:$0x2], $0x10000, $0x38;
	[tilespmem:$0x18280] =	vst v63  }
0xac: {  	_ =	swait.ge [sflag:s7], $0x10000  }
0xad: {  	[sflag:s7] =	ssyncset.done $0x0  }
0xae: {  	[sflag:s7] =	ssyncadd.s32 $0xFFFF0000  }
0xaf: {  	_ =	sfence.sel $0x180000  }
0xb0: {  	[bflag:$0x0] =	sbarrier.arrive $0xFFFF  }
0xb1: {  	p0 =	sne.s32 s2, $0x0;
	_ =	strace $0x90000047  }
0xb2: {  	s0 =	sadd.s32 @!p0 $0x100000, s0;
	[bflag:$0x2] =	sbarrier.arrive $0xFFFF  }
0xb3: {  	[sflag:s0] =	ssyncadd.tile.s32 @!p0 $0x1;
	_ =	shalt  }
.Lfunc_end2:
_tile_overlayer_lowered:
.L_overlay_start_2:
0xb4: {  	(tag) =	ssettag $0x2  }
0xb5: {  	s0 =	rddreg [dreg:$0x0];
	s2 =	stileid.u32  }
0xb6: {  	s1 =	rddreg [dreg:$0x1];
	p0 =	sne.s32 s2, $0x0  }
0xb7: {  	s3 =	rddreg [dreg:$0x2];
	[bflag:$0x3] =	sbarrier.arrive $0xFFFF;
	s2 =	simm.s32 @!p0 $0x1C02  }
0xb8: {  	[timem:s3], [sflag:s2] =	dma.local @!p0 [hbm:s0], s1  }
0xb9: {  	s0 =	simm.s32 @!p0 $0x2  }
0xba: {  	_ =	swait.ge @!p0 [sflag:s0], s1  }
0xbb: {  	s1 =	ssub.s32 @!p0 $0x0, s1;
	[sflag:s0] =	ssyncset.done @!p0 $0x0  }
0xbc: {  	[sflag:s0] =	ssyncadd.s32 @!p0 s1  }
0xbd: {  	[bflag:$0x3] =	sbarrier.arrive $0xFFFF  }
0xbe: {  	_ =	shalt  }

</sc_bundles>
